<compile_context>
chip_gen: v7x
topology: tpu7x:2x2x1
jax: 0.10.2.dev20260603
libtpu: 0.0.44.dev20260713+nightly
codegen_flags: <defaults>
</compile_context>

<pallas_src>
import functools

import jax
import jax.numpy as jnp
from jax.experimental import pallas as pl

_B = 4096
_D = 64
_TM = 256
_NEG_INF = float("-inf")


def _body(xr_ref, xf_ref, nr_ref, nf_ref, g1_ref, g2_ref,
          loss_ref, act_ref, acc_ref):
    t = pl.program_id(0)
    row0 = t * _TM

    xr = xr_ref[...]
    xf = xf_ref[...]
    r = jax.lax.dot_general(
        xr, xf, (((1,), (1,)), ((), ())),
        preferred_element_type=jnp.float32)
    d = nr_ref[...] + nf_ref[...] - 2.0 * r
    d = jnp.maximum(d, 1e-08)

    rows = row0 + jax.lax.broadcasted_iota(jnp.int32, (_TM, _B), 0)
    cols = jax.lax.broadcasted_iota(jnp.int32, (_TM, _B), 1)
    in_class = (rows // 16) == (cols // 16)

    dist_pos_full = jnp.where(in_class & (rows != cols), d, 0.0)
    dist_neg = jnp.where(in_class, 1e25, d)

    maxp = jnp.max(dist_pos_full, axis=1, keepdims=True)
    minn = jnp.min(dist_neg, axis=1, keepdims=True)
    acc_flags = (jnp.sqrt(maxp) < jnp.sqrt(minn)).astype(jnp.float32)

    r_in = jax.lax.dot_general(
        xr, xr, (((1,), (1,)), ((), ())),
        preferred_element_type=jnp.float32)
    d_in = nr_ref[...] + nf_ref[:, pl.ds(row0, _TM)] - 2.0 * r_in
    d_in = jnp.maximum(d_in, 1e-08)
    li = jax.lax.broadcasted_iota(jnp.int32, (_TM, _TM), 0)
    lj = jax.lax.broadcasted_iota(jnp.int32, (_TM, _TM), 1)
    pos_ok = ((li // 16) == (lj // 16)) & (li != lj)
    dp_in = jnp.where(pos_ok, d_in, 0.0)
    plog = jnp.where(dp_in > 0.0, jnp.log(jnp.maximum(dp_in, 1e-30)), _NEG_INF)
    g1t = jnp.tile(g1_ref[...], (1, 16))
    pv = plog + g1t
    m1 = jnp.max(pv, axis=1, keepdims=True)
    idx1 = jnp.min(jnp.where(pv == m1, lj, _B), axis=1, keepdims=True)
    pscore = jnp.sum(jnp.where(lj == idx1, dp_in, 0.0), axis=1, keepdims=True)

    candm = dist_neg < (pscore + 0.0001)
    nv = jnp.where(candm, -dist_neg, _NEG_INF) + g2_ref[...]
    m2 = jnp.max(nv, axis=1, keepdims=True)
    idx2 = jnp.min(jnp.where(nv == m2, cols, _B), axis=1, keepdims=True)
    has = m2 > _NEG_INF
    negid = jnp.where(has, idx2, 0)
    sneg = jnp.sum(jnp.where(cols == negid, dist_neg, 0.0), axis=1, keepdims=True)

    score_pos = jnp.sqrt(pscore)
    score_neg = jnp.sqrt(sneg)
    diff = (0.0001 + score_pos) - score_neg
    loss_ref[...] = jnp.logaddexp(diff, 0.0)

    @pl.when(t == 0)
    def _init():
        act_ref[...] = jnp.zeros((1, 1), jnp.float32)
        acc_ref[...] = jnp.zeros((1, 1), jnp.float32)

    act_ref[...] += jnp.sum((diff > 0.0).astype(jnp.float32), keepdims=True)
    acc_ref[...] += jnp.sum(acc_flags, keepdims=True)


@functools.partial(jax.jit, static_argnames=("interpret",))
def _run(features, interpret=False):
    feat_norm = jnp.sum(features * features, axis=1, keepdims=True)
    skey = jax.random.key(42)
    k1, k2 = jax.random.split(skey)
    g1 = jax.random.gumbel(k1, (_B, _B), jnp.float32)
    g2 = jax.random.gumbel(k2, (_B, _B), jnp.float32)
    nclass = _B // 16
    g1r = g1.reshape(nclass, 16, nclass, 16)
    g1d = g1r[jnp.arange(nclass), :, jnp.arange(nclass), :].reshape(_B, 16)

    loss, act, acc = pl.pallas_call(
        _body,
        grid=(_B // _TM,),
        in_specs=[
            pl.BlockSpec((_TM, _D), lambda t: (t, 0)),
            pl.BlockSpec((_B, _D), lambda t: (0, 0)),
            pl.BlockSpec((_TM, 1), lambda t: (t, 0)),
            pl.BlockSpec((1, _B), lambda t: (0, 0)),
            pl.BlockSpec((_TM, 16), lambda t: (t, 0)),
            pl.BlockSpec((_TM, _B), lambda t: (t, 0)),
        ],
        out_specs=[
            pl.BlockSpec((_TM, 1), lambda t: (t, 0)),
            pl.BlockSpec((1, 1), lambda t: (0, 0)),
            pl.BlockSpec((1, 1), lambda t: (0, 0)),
        ],
        out_shape=[
            jax.ShapeDtypeStruct((_B, 1), jnp.float32),
            jax.ShapeDtypeStruct((1, 1), jnp.float32),
            jax.ShapeDtypeStruct((1, 1), jnp.float32),
        ],
        interpret=interpret,
    )(features, features, feat_norm, feat_norm.T, g1d, g2)

    avg_active = act[0, 0] / _B
    accuracy = 100.0 * acc[0, 0] / _B
    return loss, avg_active, accuracy


def kernel(features):
    return _run(features)

# --- scband reference (transcript-rebuilt; emitter-appended) ---
"""Pipeline reference for scband-random-batch-triplet-loss-86612310492001 (READ-ONLY COPY).

The authoritative reference and input builder live on the scoring server;
editing this copy changes nothing except your own understanding.
"""

import jax, jax.numpy as jnp
import numpy as np

BATCH_CLASS = 256
BATCH_IMAGE = 16
B = BATCH_CLASS * BATCH_IMAGE
D = 64


def _masks():
    pos = np.zeros((B, B), dtype=np.float32)
    for i in range(BATCH_CLASS):
        s, e = i * BATCH_IMAGE, (i + 1) * BATCH_IMAGE
        pos[s:e, s:e] = 1.0
    neg = 1.0 - pos
    pos_dist_diag = pos * 1e25  # includes diagonal (computed before eye subtraction)
    pos_noeye = pos - np.eye(B, dtype=np.float32)
    return jnp.asarray(pos_noeye), jnp.asarray(neg), jnp.asarray(pos_dist_diag)


def setup_inputs(seed: int = 0) -> dict:
    key = jax.random.key(seed)
    features = jax.random.normal(key, (B, D), dtype=jnp.float32)
    return {"features": features}


def reference(features):
    pos_mask, neg_mask, pos_dist_diag = _masks()
    b = features.shape[0]
    feat_norm = jnp.sum(features * features, axis=1, keepdims=True)
    r = features @ features.T
    distance = feat_norm + feat_norm.T - 2.0 * r
    distance = jnp.clip(distance, 1e-08, None)
    dist_pos = distance * pos_mask
    dist_neg = distance * neg_mask + pos_dist_diag
    score_pos1 = jnp.sqrt(jnp.max(dist_pos, axis=1))
    score_neg1 = jnp.sqrt(jnp.min(dist_neg, axis=1))
    accuracy = 100.0 * jnp.sum((score_pos1 < score_neg1).astype(jnp.float32)) / b
    # sample_from_dist, vectorized.
    # torch.multinomial(weights) == categorical with logits = log(weights)
    skey = jax.random.key(42)
    k1, k2 = jax.random.split(skey)
    pos_logits = jnp.where(dist_pos > 0.0, jnp.log(jnp.maximum(dist_pos, 1e-30)), -jnp.inf)
    pos_ids = jax.random.categorical(k1, pos_logits, axis=1)
    pscore = jnp.take_along_axis(dist_pos, pos_ids[:, None], axis=1)  # [b,1]
    cand = dist_neg < (pscore + 0.0001)
    has_cand = jnp.any(cand, axis=1)
    # multinomial over exp(-dist_neg[id2]) == categorical with logits -dist_neg on candidates
    neg_logits = jnp.where(cand, -dist_neg, -jnp.inf)
    neg_sampled = jax.random.categorical(k2, neg_logits, axis=1)
    fallback = jnp.argmax(dist_neg > 0.0, axis=1)  # first index with positive value
    neg_ids = jnp.where(has_cand, neg_sampled, fallback)
    score_pos = jnp.sqrt(jnp.take_along_axis(dist_pos, pos_ids[:, None], axis=1))
    score_neg = jnp.sqrt(jnp.take_along_axis(dist_neg, neg_ids[:, None], axis=1))
    # margin == 0 path -> softplus activation
    diff = 0.0001 + score_pos - score_neg
    avg_active = jnp.sum((diff > 0.0).astype(jnp.float32)) / b
    loss = jax.nn.softplus(diff)
    return loss, avg_active, accuracy

if __name__ == "__main__":
    import jax
    _d = setup_inputs()
    print(jax.jit(kernel)(*tuple(_d.values())))

</pallas_src>

<mosaic_0001>
module attributes {stable_mosaic.version = 14 : i64} {
  func.func @_body(%arg0: i32, %arg1: memref<256x64xf32, #tpu.memory_space<vmem>>, %arg2: memref<4096x64xf32, #tpu.memory_space<vmem>>, %arg3: memref<256x1xf32, #tpu.memory_space<vmem>>, %arg4: memref<1x4096xf32, #tpu.memory_space<vmem>>, %arg5: memref<256x16xf32, #tpu.memory_space<vmem>>, %arg6: memref<256x4096xf32, #tpu.memory_space<vmem>>, %arg7: memref<256x1xf32, #tpu.memory_space<vmem>>, %arg8: memref<1x1xf32, #tpu.memory_space<vmem>>, %arg9: memref<1x1xf32, #tpu.memory_space<vmem>>) attributes {dimension_semantics = [#tpu.dimension_semantics<arbitrary>], iteration_bounds = array<i64: 16>, scalar_prefetch = 0 : i64, scratch_operands = 0 : i64, tpu.core_type = #tpu.core_type<tc>, window_params = [{transform_indices = @transform_0, window_bounds = array<i64: 256, 64>}, {pipeline_mode = #tpu.pipeline_mode<synchronous>, transform_indices = @transform_1, window_bounds = array<i64: 4096, 64>}, {transform_indices = @transform_2, window_bounds = array<i64: 256, 1>}, {pipeline_mode = #tpu.pipeline_mode<synchronous>, transform_indices = @transform_3, window_bounds = array<i64: 1, 4096>}, {transform_indices = @transform_4, window_bounds = array<i64: 256, 16>}, {transform_indices = @transform_5, window_bounds = array<i64: 256, 4096>}, {transform_indices = @transform_6, window_bounds = array<i64: 256, 1>}, {pipeline_mode = #tpu.pipeline_mode<synchronous>, transform_indices = @transform_7, window_bounds = array<i64: 1, 1>}, {pipeline_mode = #tpu.pipeline_mode<synchronous>, transform_indices = @transform_8, window_bounds = array<i64: 1, 1>}]} {
    %mul3A = arith.constant 256 : i32
    %mul3A_0 = arith.muli %arg0, %mul3A : i32
    %get3A = arith.constant 0 : index
    %get3A_1 = arith.constant 0 : index
    %get3A_2 = vector.load %arg1[%get3A, %get3A_1] : memref<256x64xf32, #tpu.memory_space<vmem>>, vector<256x64xf32>
    %get3A_3 = arith.constant 0 : index
    %get3A_4 = arith.constant 0 : index
    %get3A_5 = vector.load %arg2[%get3A_3, %get3A_4] : memref<4096x64xf32, #tpu.memory_space<vmem>>, vector<4096x64xf32>
    %dot_general3A = arith.constant dense<0.000000e+00> : vector<256x4096xf32>
    %dot_general3A_6 = tpu.matmul %get3A_2, %get3A_5, %dot_general3A {dimension_numbers = #tpu.dot_dimension_numbers<[1], [1], [0], [0], [0, 0, 1, 0], [], []>, transpose_lhs_hint = false} : vector<256x64xf32>, vector<4096x64xf32>, vector<256x4096xf32> -> vector<256x4096xf32>
    %get3A_7 = arith.constant 0 : index
    %get3A_8 = arith.constant 0 : index
    %get3A_9 = vector.load %arg3[%get3A_7, %get3A_8] : memref<256x1xf32, #tpu.memory_space<vmem>>, vector<256x1xf32>
    %get3A_10 = arith.constant 0 : index
    %get3A_11 = arith.constant 0 : index
    %get3A_12 = vector.load %arg4[%get3A_10, %get3A_11] : memref<1x4096xf32, #tpu.memory_space<vmem>>, vector<1x4096xf32>
    %add3A = vector.broadcast %get3A_9 : vector<256x1xf32> to vector<256x4096xf32>
    %add3A_13 = vector.broadcast %get3A_12 : vector<1x4096xf32> to vector<256x4096xf32>
    %add3A_14 = arith.addf %add3A, %add3A_13 : vector<256x4096xf32>
    %mul3A_15 = arith.constant 2.000000e+00 : f32
    %mul3A_16 = vector.broadcast %mul3A_15 : f32 to vector<256x4096xf32>
    %mul3A_17 = arith.mulf %mul3A_16, %dot_general3A_6 : vector<256x4096xf32>
    %sub3A = arith.subf %add3A_14, %mul3A_17 : vector<256x4096xf32>
    %max3A = arith.constant 9.99999993E-9 : f32
    %max3A_18 = vector.broadcast %max3A : f32 to vector<256x4096xf32>
    %max3A_19 = arith.maximumf %sub3A, %max3A_18 : vector<256x4096xf32>
    %iota3A = tpu.iota {dimensions = array<i32: 0>} : vector<256x4096xi32>
    %add3A_20 = vector.broadcast %mul3A_0 : i32 to vector<256x4096xi32>
    %add3A_21 = arith.addi %add3A_20, %iota3A : vector<256x4096xi32>
    %iota3A_22 = tpu.iota {dimensions = array<i32: 1>} : vector<256x4096xi32>
    %jit3A = arith.constant 16 : i32
    %div3A = vector.broadcast %jit3A : i32 to vector<256x4096xi32>
    %div3A_23 = arith.divsi %add3A_21, %div3A : vector<256x4096xi32>
    %sign3A = arith.constant 0 : i32
    %sign3A_24 = vector.broadcast %sign3A : i32 to vector<256x4096xi32>
    %sign3A_25 = arith.cmpi sgt, %add3A_21, %sign3A_24 : vector<256x4096xi32>
    %sign3A_26 = arith.extui %sign3A_25 : vector<256x4096xi1> to vector<256x4096xi32>
    %sign3A_27 = arith.constant 0 : i32
    %sign3A_28 = vector.broadcast %sign3A_27 : i32 to vector<256x4096xi32>
    %sign3A_29 = arith.cmpi slt, %add3A_21, %sign3A_28 : vector<256x4096xi32>
    %sign3A_30 = arith.extui %sign3A_29 : vector<256x4096xi1> to vector<256x4096xi32>
    %sign3A_31 = arith.subi %sign3A_26, %sign3A_30 : vector<256x4096xi32>
    %sign3A_32 = arith.constant 0 : i32
    %sign3A_33 = arith.cmpi sgt, %jit3A, %sign3A_32 : i32
    %sign3A_34 = arith.extui %sign3A_33 : i1 to i32
    %sign3A_35 = arith.constant 0 : i32
    %sign3A_36 = arith.cmpi slt, %jit3A, %sign3A_35 : i32
    %sign3A_37 = arith.extui %sign3A_36 : i1 to i32
    %sign3A_38 = arith.subi %sign3A_34, %sign3A_37 : i32
    %ne3A = vector.broadcast %sign3A_38 : i32 to vector<256x4096xi32>
    %ne3A_39 = arith.cmpi ne, %sign3A_31, %ne3A : vector<256x4096xi32>
    %rem3A = vector.broadcast %jit3A : i32 to vector<256x4096xi32>
    %rem3A_40 = arith.remsi %add3A_21, %rem3A : vector<256x4096xi32>
    %ne3A_41 = arith.constant 0 : i32
    %ne3A_42 = vector.broadcast %ne3A_41 : i32 to vector<256x4096xi32>
    %ne3A_43 = arith.cmpi ne, %rem3A_40, %ne3A_42 : vector<256x4096xi32>
    %and3A = arith.andi %ne3A_39, %ne3A_43 : vector<256x4096xi1>
    %sub3A_44 = arith.constant 1 : i32
    %sub3A_45 = vector.broadcast %sub3A_44 : i32 to vector<256x4096xi32>
    %sub3A_46 = arith.subi %div3A_23, %sub3A_45 : vector<256x4096xi32>
    %select_n3A = arith.select %and3A, %sub3A_46, %div3A_23 : vector<256x4096xi1>, vector<256x4096xi32>
    %jit3A_47 = arith.constant 16 : i32
    %div3A_48 = vector.broadcast %jit3A_47 : i32 to vector<256x4096xi32>
    %div3A_49 = arith.divsi %iota3A_22, %div3A_48 : vector<256x4096xi32>
    %sign3A_50 = arith.constant 0 : i32
    %sign3A_51 = vector.broadcast %sign3A_50 : i32 to vector<256x4096xi32>
    %sign3A_52 = arith.cmpi sgt, %iota3A_22, %sign3A_51 : vector<256x4096xi32>
    %sign3A_53 = arith.extui %sign3A_52 : vector<256x4096xi1> to vector<256x4096xi32>
    %sign3A_54 = arith.constant 0 : i32
    %sign3A_55 = vector.broadcast %sign3A_54 : i32 to vector<256x4096xi32>
    %sign3A_56 = arith.cmpi slt, %iota3A_22, %sign3A_55 : vector<256x4096xi32>
    %sign3A_57 = arith.extui %sign3A_56 : vector<256x4096xi1> to vector<256x4096xi32>
    %sign3A_58 = arith.subi %sign3A_53, %sign3A_57 : vector<256x4096xi32>
    %sign3A_59 = arith.constant 0 : i32
    %sign3A_60 = arith.cmpi sgt, %jit3A_47, %sign3A_59 : i32
    %sign3A_61 = arith.extui %sign3A_60 : i1 to i32
    %sign3A_62 = arith.constant 0 : i32
    %sign3A_63 = arith.cmpi slt, %jit3A_47, %sign3A_62 : i32
    %sign3A_64 = arith.extui %sign3A_63 : i1 to i32
    %sign3A_65 = arith.subi %sign3A_61, %sign3A_64 : i32
    %ne3A_66 = vector.broadcast %sign3A_65 : i32 to vector<256x4096xi32>
    %ne3A_67 = arith.cmpi ne, %sign3A_58, %ne3A_66 : vector<256x4096xi32>
    %rem3A_68 = vector.broadcast %jit3A_47 : i32 to vector<256x4096xi32>
    %rem3A_69 = arith.remsi %iota3A_22, %rem3A_68 : vector<256x4096xi32>
    %ne3A_70 = arith.constant 0 : i32
    %ne3A_71 = vector.broadcast %ne3A_70 : i32 to vector<256x4096xi32>
    %ne3A_72 = arith.cmpi ne, %rem3A_69, %ne3A_71 : vector<256x4096xi32>
    %and3A_73 = arith.andi %ne3A_67, %ne3A_72 : vector<256x4096xi1>
    %sub3A_74 = arith.constant 1 : i32
    %sub3A_75 = vector.broadcast %sub3A_74 : i32 to vector<256x4096xi32>
    %sub3A_76 = arith.subi %div3A_49, %sub3A_75 : vector<256x4096xi32>
    %select_n3A_77 = arith.select %and3A_73, %sub3A_76, %div3A_49 : vector<256x4096xi1>, vector<256x4096xi32>
    %eq3A = arith.cmpi eq, %select_n3A, %select_n3A_77 : vector<256x4096xi32>
    %ne3A_78 = arith.cmpi ne, %add3A_21, %iota3A_22 : vector<256x4096xi32>
    %and3A_79 = arith.andi %eq3A, %ne3A_78 : vector<256x4096xi1>
    %jit3A_80 = arith.constant 0.000000e+00 : f32
    %broadcast_in_dim3A = vector.broadcast %jit3A_80 : f32 to vector<256x4096xf32>
    %select_n3A_81 = arith.select %and3A_79, %max3A_19, %broadcast_in_dim3A : vector<256x4096xi1>, vector<256x4096xf32>
    %jit3A_82 = arith.constant 9.99999956E+24 : f32
    %broadcast_in_dim3A_83 = vector.broadcast %jit3A_82 : f32 to vector<256x4096xf32>
    %select_n3A_84 = arith.select %eq3A, %broadcast_in_dim3A_83, %max3A_19 : vector<256x4096xi1>, vector<256x4096xf32>
    %reduce_max3A = arith.constant dense<0xFF800000> : vector<256xf32>
    %reduce_max3A_85 = vector.multi_reduction <maximumf>, %select_n3A_81, %reduce_max3A [1] : vector<256x4096xf32> to vector<256xf32>
    %broadcast_in_dim3A_86 = vector.shape_cast %reduce_max3A_85 : vector<256xf32> to vector<256x1xf32>
    %reduce_min3A = arith.constant dense<0x7F800000> : vector<256xf32>
    %reduce_min3A_87 = vector.multi_reduction <minimumf>, %select_n3A_84, %reduce_min3A [1] : vector<256x4096xf32> to vector<256xf32>
    %broadcast_in_dim3A_88 = vector.shape_cast %reduce_min3A_87 : vector<256xf32> to vector<256x1xf32>
    %sqrt3A = math.sqrt %broadcast_in_dim3A_86 : vector<256x1xf32>
    %sqrt3A_89 = math.sqrt %broadcast_in_dim3A_88 : vector<256x1xf32>
    %lt3A = arith.cmpf olt, %sqrt3A, %sqrt3A_89 : vector<256x1xf32>
    %convert_element_type3A = arith.extui %lt3A : vector<256x1xi1> to vector<256x1xi32>
    %convert_element_type3A_90 = arith.sitofp %convert_element_type3A : vector<256x1xi32> to vector<256x1xf32>
    %dot_general3A_91 = arith.constant dense<0.000000e+00> : vector<256x256xf32>
    %dot_general3A_92 = tpu.matmul %get3A_2, %get3A_2, %dot_general3A_91 {dimension_numbers = #tpu.dot_dimension_numbers<[1], [1], [0], [0], [0, 0, 1, 0], [], []>, transpose_lhs_hint = false} : vector<256x64xf32>, vector<256x64xf32>, vector<256x256xf32> -> vector<256x256xf32>
    %get3A_93 = arith.constant 0 : index
    %get3A_94 = arith.constant 0 : index
    %get3A_95 = vector.load %arg3[%get3A_93, %get3A_94] : memref<256x1xf32, #tpu.memory_space<vmem>>, vector<256x1xf32>
    %get3A_96 = arith.constant 0 : index
    %get3A_97 = arith.index_cast %mul3A_0 : i32 to index
    %get3A_98 = vector.load %arg4[%get3A_96, %get3A_97] : memref<1x4096xf32, #tpu.memory_space<vmem>>, vector<1x256xf32>
    %add3A_99 = vector.broadcast %get3A_95 : vector<256x1xf32> to vector<256x256xf32>
    %add3A_100 = vector.broadcast %get3A_98 : vector<1x256xf32> to vector<256x256xf32>
    %add3A_101 = arith.addf %add3A_99, %add3A_100 : vector<256x256xf32>
    %mul3A_102 = arith.constant 2.000000e+00 : f32
    %mul3A_103 = vector.broadcast %mul3A_102 : f32 to vector<256x256xf32>
    %mul3A_104 = arith.mulf %mul3A_103, %dot_general3A_92 : vector<256x256xf32>
    %sub3A_105 = arith.subf %add3A_101, %mul3A_104 : vector<256x256xf32>
    %max3A_106 = arith.constant 9.99999993E-9 : f32
    %max3A_107 = vector.broadcast %max3A_106 : f32 to vector<256x256xf32>
    %max3A_108 = arith.maximumf %sub3A_105, %max3A_107 : vector<256x256xf32>
    %iota3A_109 = tpu.iota {dimensions = array<i32: 0>} : vector<256x256xi32>
    %iota3A_110 = tpu.iota {dimensions = array<i32: 1>} : vector<256x256xi32>
    %jit3A_111 = arith.constant 16 : i32
    %div3A_112 = vector.broadcast %jit3A_111 : i32 to vector<256x256xi32>
    %div3A_113 = arith.divsi %iota3A_109, %div3A_112 : vector<256x256xi32>
    %sign3A_114 = arith.constant 0 : i32
    %sign3A_115 = vector.broadcast %sign3A_114 : i32 to vector<256x256xi32>
    %sign3A_116 = arith.cmpi sgt, %iota3A_109, %sign3A_115 : vector<256x256xi32>
    %sign3A_117 = arith.extui %sign3A_116 : vector<256x256xi1> to vector<256x256xi32>
    %sign3A_118 = arith.constant 0 : i32
    %sign3A_119 = vector.broadcast %sign3A_118 : i32 to vector<256x256xi32>
    %sign3A_120 = arith.cmpi slt, %iota3A_109, %sign3A_119 : vector<256x256xi32>
    %sign3A_121 = arith.extui %sign3A_120 : vector<256x256xi1> to vector<256x256xi32>
    %sign3A_122 = arith.subi %sign3A_117, %sign3A_121 : vector<256x256xi32>
    %sign3A_123 = arith.constant 0 : i32
    %sign3A_124 = arith.cmpi sgt, %jit3A_111, %sign3A_123 : i32
    %sign3A_125 = arith.extui %sign3A_124 : i1 to i32
    %sign3A_126 = arith.constant 0 : i32
    %sign3A_127 = arith.cmpi slt, %jit3A_111, %sign3A_126 : i32
    %sign3A_128 = arith.extui %sign3A_127 : i1 to i32
    %sign3A_129 = arith.subi %sign3A_125, %sign3A_128 : i32
    %ne3A_130 = vector.broadcast %sign3A_129 : i32 to vector<256x256xi32>
    %ne3A_131 = arith.cmpi ne, %sign3A_122, %ne3A_130 : vector<256x256xi32>
    %rem3A_132 = vector.broadcast %jit3A_111 : i32 to vector<256x256xi32>
    %rem3A_133 = arith.remsi %iota3A_109, %rem3A_132 : vector<256x256xi32>
    %ne3A_134 = arith.constant 0 : i32
    %ne3A_135 = vector.broadcast %ne3A_134 : i32 to vector<256x256xi32>
    %ne3A_136 = arith.cmpi ne, %rem3A_133, %ne3A_135 : vector<256x256xi32>
    %and3A_137 = arith.andi %ne3A_131, %ne3A_136 : vector<256x256xi1>
    %sub3A_138 = arith.constant 1 : i32
    %sub3A_139 = vector.broadcast %sub3A_138 : i32 to vector<256x256xi32>
    %sub3A_140 = arith.subi %div3A_113, %sub3A_139 : vector<256x256xi32>
    %select_n3A_141 = arith.select %and3A_137, %sub3A_140, %div3A_113 : vector<256x256xi1>, vector<256x256xi32>
    %jit3A_142 = arith.constant 16 : i32
    %div3A_143 = vector.broadcast %jit3A_142 : i32 to vector<256x256xi32>
    %div3A_144 = arith.divsi %iota3A_110, %div3A_143 : vector<256x256xi32>
    %sign3A_145 = arith.constant 0 : i32
    %sign3A_146 = vector.broadcast %sign3A_145 : i32 to vector<256x256xi32>
    %sign3A_147 = arith.cmpi sgt, %iota3A_110, %sign3A_146 : vector<256x256xi32>
    %sign3A_148 = arith.extui %sign3A_147 : vector<256x256xi1> to vector<256x256xi32>
    %sign3A_149 = arith.constant 0 : i32
    %sign3A_150 = vector.broadcast %sign3A_149 : i32 to vector<256x256xi32>
    %sign3A_151 = arith.cmpi slt, %iota3A_110, %sign3A_150 : vector<256x256xi32>
    %sign3A_152 = arith.extui %sign3A_151 : vector<256x256xi1> to vector<256x256xi32>
    %sign3A_153 = arith.subi %sign3A_148, %sign3A_152 : vector<256x256xi32>
    %sign3A_154 = arith.constant 0 : i32
    %sign3A_155 = arith.cmpi sgt, %jit3A_142, %sign3A_154 : i32
    %sign3A_156 = arith.extui %sign3A_155 : i1 to i32
    %sign3A_157 = arith.constant 0 : i32
    %sign3A_158 = arith.cmpi slt, %jit3A_142, %sign3A_157 : i32
    %sign3A_159 = arith.extui %sign3A_158 : i1 to i32
    %sign3A_160 = arith.subi %sign3A_156, %sign3A_159 : i32
    %ne3A_161 = vector.broadcast %sign3A_160 : i32 to vector<256x256xi32>
    %ne3A_162 = arith.cmpi ne, %sign3A_153, %ne3A_161 : vector<256x256xi32>
    %rem3A_163 = vector.broadcast %jit3A_142 : i32 to vector<256x256xi32>
    %rem3A_164 = arith.remsi %iota3A_110, %rem3A_163 : vector<256x256xi32>
    %ne3A_165 = arith.constant 0 : i32
    %ne3A_166 = vector.broadcast %ne3A_165 : i32 to vector<256x256xi32>
    %ne3A_167 = arith.cmpi ne, %rem3A_164, %ne3A_166 : vector<256x256xi32>
    %and3A_168 = arith.andi %ne3A_162, %ne3A_167 : vector<256x256xi1>
    %sub3A_169 = arith.constant 1 : i32
    %sub3A_170 = vector.broadcast %sub3A_169 : i32 to vector<256x256xi32>
    %sub3A_171 = arith.subi %div3A_144, %sub3A_170 : vector<256x256xi32>
    %select_n3A_172 = arith.select %and3A_168, %sub3A_171, %div3A_144 : vector<256x256xi1>, vector<256x256xi32>
    %eq3A_173 = arith.cmpi eq, %select_n3A_141, %select_n3A_172 : vector<256x256xi32>
    %ne3A_174 = arith.cmpi ne, %iota3A_109, %iota3A_110 : vector<256x256xi32>
    %and3A_175 = arith.andi %eq3A_173, %ne3A_174 : vector<256x256xi1>
    %jit3A_176 = arith.constant 0.000000e+00 : f32
    %broadcast_in_dim3A_177 = vector.broadcast %jit3A_176 : f32 to vector<256x256xf32>
    %select_n3A_178 = arith.select %and3A_175, %max3A_108, %broadcast_in_dim3A_177 : vector<256x256xi1>, vector<256x256xf32>
    %gt3A = arith.constant 0.000000e+00 : f32
    %gt3A_179 = vector.broadcast %gt3A : f32 to vector<256x256xf32>
    %gt3A_180 = arith.cmpf ogt, %select_n3A_178, %gt3A_179 : vector<256x256xf32>
    %max3A_181 = arith.constant 1.000000e-30 : f32
    %max3A_182 = vector.broadcast %max3A_181 : f32 to vector<256x256xf32>
    %max3A_183 = arith.maximumf %select_n3A_178, %max3A_182 : vector<256x256xf32>
    %log3A = math.log %max3A_183 : vector<256x256xf32>
    %jit3A_184 = arith.constant 0xFF800000 : f32
    %broadcast_in_dim3A_185 = vector.broadcast %jit3A_184 : f32 to vector<256x256xf32>
    %select_n3A_186 = arith.select %gt3A_180, %log3A, %broadcast_in_dim3A_185 : vector<256x256xi1>, vector<256x256xf32>
    %get3A_187 = arith.constant 0 : index
    %get3A_188 = arith.constant 0 : index
    %get3A_189 = vector.load %arg5[%get3A_187, %get3A_188] : memref<256x16xf32, #tpu.memory_space<vmem>>, vector<256x16xf32>
    %tile3A = tpu.concatenate %get3A_189, %get3A_189, %get3A_189, %get3A_189, %get3A_189, %get3A_189, %get3A_189, %get3A_189, %get3A_189, %get3A_189, %get3A_189, %get3A_189, %get3A_189, %get3A_189, %get3A_189, %get3A_189 in 1 : vector<256x16xf32>, vector<256x16xf32>, vector<256x16xf32>, vector<256x16xf32>, vector<256x16xf32>, vector<256x16xf32>, vector<256x16xf32>, vector<256x16xf32>, vector<256x16xf32>, vector<256x16xf32>, vector<256x16xf32>, vector<256x16xf32>, vector<256x16xf32>, vector<256x16xf32>, vector<256x16xf32>, vector<256x16xf32> -> vector<256x256xf32>
    %add3A_190 = arith.addf %select_n3A_186, %tile3A : vector<256x256xf32>
    %reduce_max3A_191 = arith.constant dense<0xFF800000> : vector<256xf32>
    %reduce_max3A_192 = vector.multi_reduction <maximumf>, %add3A_190, %reduce_max3A_191 [1] : vector<256x256xf32> to vector<256xf32>
    %broadcast_in_dim3A_193 = vector.shape_cast %reduce_max3A_192 : vector<256xf32> to vector<256x1xf32>
    %eq3A_194 = vector.broadcast %broadcast_in_dim3A_193 : vector<256x1xf32> to vector<256x256xf32>
    %eq3A_195 = arith.cmpf oeq, %add3A_190, %eq3A_194 : vector<256x256xf32>
    %jit3A_196 = arith.constant 4096 : i32
    %broadcast_in_dim3A_197 = vector.broadcast %jit3A_196 : i32 to vector<256x256xi32>
    %select_n3A_198 = arith.select %eq3A_195, %iota3A_110, %broadcast_in_dim3A_197 : vector<256x256xi1>, vector<256x256xi32>
    %reduce_min3A_199 = arith.constant dense<2147483647> : vector<256xi32>
    %reduce_min3A_200 = vector.multi_reduction <minsi>, %select_n3A_198, %reduce_min3A_199 [1] : vector<256x256xi32> to vector<256xi32>
    %broadcast_in_dim3A_201 = vector.shape_cast %reduce_min3A_200 : vector<256xi32> to vector<256x1xi32>
    %eq3A_202 = vector.broadcast %broadcast_in_dim3A_201 : vector<256x1xi32> to vector<256x256xi32>
    %eq3A_203 = arith.cmpi eq, %iota3A_110, %eq3A_202 : vector<256x256xi32>
    %jit3A_204 = arith.constant 0.000000e+00 : f32
    %broadcast_in_dim3A_205 = vector.broadcast %jit3A_204 : f32 to vector<256x256xf32>
    %select_n3A_206 = arith.select %eq3A_203, %select_n3A_178, %broadcast_in_dim3A_205 : vector<256x256xi1>, vector<256x256xf32>
    %reduce_sum3A = arith.constant dense<0.000000e+00> : vector<256xf32>
    %reduce_sum3A_207 = vector.multi_reduction <add>, %select_n3A_206, %reduce_sum3A [1] : vector<256x256xf32> to vector<256xf32>
    %broadcast_in_dim3A_208 = vector.shape_cast %reduce_sum3A_207 : vector<256xf32> to vector<256x1xf32>
    %add3A_209 = arith.constant 9.99999974E-5 : f32
    %add3A_210 = vector.broadcast %add3A_209 : f32 to vector<256x1xf32>
    %add3A_211 = arith.addf %broadcast_in_dim3A_208, %add3A_210 : vector<256x1xf32>
    %lt3A_212 = vector.broadcast %add3A_211 : vector<256x1xf32> to vector<256x4096xf32>
    %lt3A_213 = arith.cmpf olt, %select_n3A_84, %lt3A_212 : vector<256x4096xf32>
    %neg3A = arith.constant 0.000000e+00 : f32
    %neg3A_214 = vector.broadcast %neg3A : f32 to vector<256x4096xf32>
    %neg3A_215 = arith.subf %neg3A_214, %select_n3A_84 : vector<256x4096xf32>
    %jit3A_216 = arith.constant 0xFF800000 : f32
    %broadcast_in_dim3A_217 = vector.broadcast %jit3A_216 : f32 to vector<256x4096xf32>
    %select_n3A_218 = arith.select %lt3A_213, %neg3A_215, %broadcast_in_dim3A_217 : vector<256x4096xi1>, vector<256x4096xf32>
    %get3A_219 = arith.constant 0 : index
    %get3A_220 = arith.constant 0 : index
    %get3A_221 = vector.load %arg6[%get3A_219, %get3A_220] : memref<256x4096xf32, #tpu.memory_space<vmem>>, vector<256x4096xf32>
    %add3A_222 = arith.addf %select_n3A_218, %get3A_221 : vector<256x4096xf32>
    %reduce_max3A_223 = arith.constant dense<0xFF800000> : vector<256xf32>
    %reduce_max3A_224 = vector.multi_reduction <maximumf>, %add3A_222, %reduce_max3A_223 [1] : vector<256x4096xf32> to vector<256xf32>
    %broadcast_in_dim3A_225 = vector.shape_cast %reduce_max3A_224 : vector<256xf32> to vector<256x1xf32>
    %eq3A_226 = vector.broadcast %broadcast_in_dim3A_225 : vector<256x1xf32> to vector<256x4096xf32>
    %eq3A_227 = arith.cmpf oeq, %add3A_222, %eq3A_226 : vector<256x4096xf32>
    %jit3A_228 = arith.constant 4096 : i32
    %broadcast_in_dim3A_229 = vector.broadcast %jit3A_228 : i32 to vector<256x4096xi32>
    %select_n3A_230 = arith.select %eq3A_227, %iota3A_22, %broadcast_in_dim3A_229 : vector<256x4096xi1>, vector<256x4096xi32>
    %reduce_min3A_231 = arith.constant dense<2147483647> : vector<256xi32>
    %reduce_min3A_232 = vector.multi_reduction <minsi>, %select_n3A_230, %reduce_min3A_231 [1] : vector<256x4096xi32> to vector<256xi32>
    %broadcast_in_dim3A_233 = vector.shape_cast %reduce_min3A_232 : vector<256xi32> to vector<256x1xi32>
    %gt3A_234 = arith.constant 0xFF800000 : f32
    %gt3A_235 = vector.broadcast %gt3A_234 : f32 to vector<256x1xf32>
    %gt3A_236 = arith.cmpf ogt, %broadcast_in_dim3A_225, %gt3A_235 : vector<256x1xf32>
    %jit3A_237 = arith.constant 0 : i32
    %broadcast_in_dim3A_238 = vector.broadcast %jit3A_237 : i32 to vector<256x1xi32>
    %select_n3A_239 = arith.select %gt3A_236, %broadcast_in_dim3A_233, %broadcast_in_dim3A_238 : vector<256x1xi1>, vector<256x1xi32>
    %eq3A_240 = vector.broadcast %select_n3A_239 : vector<256x1xi32> to vector<256x4096xi32>
    %eq3A_241 = arith.cmpi eq, %iota3A_22, %eq3A_240 : vector<256x4096xi32>
    %jit3A_242 = arith.constant 0.000000e+00 : f32
    %broadcast_in_dim3A_243 = vector.broadcast %jit3A_242 : f32 to vector<256x4096xf32>
    %select_n3A_244 = arith.select %eq3A_241, %select_n3A_84, %broadcast_in_dim3A_243 : vector<256x4096xi1>, vector<256x4096xf32>
    %reduce_sum3A_245 = arith.constant dense<0.000000e+00> : vector<256xf32>
    %reduce_sum3A_246 = vector.multi_reduction <add>, %select_n3A_244, %reduce_sum3A_245 [1] : vector<256x4096xf32> to vector<256xf32>
    %broadcast_in_dim3A_247 = vector.shape_cast %reduce_sum3A_246 : vector<256xf32> to vector<256x1xf32>
    %sqrt3A_248 = math.sqrt %broadcast_in_dim3A_208 : vector<256x1xf32>
    %sqrt3A_249 = math.sqrt %broadcast_in_dim3A_247 : vector<256x1xf32>
    %add3A_250 = arith.constant 9.99999974E-5 : f32
    %add3A_251 = vector.broadcast %add3A_250 : f32 to vector<256x1xf32>
    %add3A_252 = arith.addf %add3A_251, %sqrt3A_248 : vector<256x1xf32>
    %sub3A_253 = arith.subf %add3A_252, %sqrt3A_249 : vector<256x1xf32>
    %custom_jvp_call3A = arith.constant 0.000000e+00 : f32
    %max3A_254 = vector.broadcast %custom_jvp_call3A : f32 to vector<256x1xf32>
    %max3A_255 = arith.maximumf %sub3A_253, %max3A_254 : vector<256x1xf32>
    %sub3A_256 = vector.broadcast %custom_jvp_call3A : f32 to vector<256x1xf32>
    %sub3A_257 = arith.subf %sub3A_253, %sub3A_256 : vector<256x1xf32>
    %ne3A_258 = arith.cmpf one, %sub3A_257, %sub3A_257 : vector<256x1xf32>
    %add3A_259 = vector.broadcast %custom_jvp_call3A : f32 to vector<256x1xf32>
    %add3A_260 = arith.addf %sub3A_253, %add3A_259 : vector<256x1xf32>
    %abs3A = math.absf %sub3A_257 : vector<256x1xf32>
    %neg3A_261 = arith.constant 0.000000e+00 : f32
    %neg3A_262 = vector.broadcast %neg3A_261 : f32 to vector<256x1xf32>
    %neg3A_263 = arith.subf %neg3A_262, %abs3A : vector<256x1xf32>
    %exp3A = math.exp %neg3A_263 : vector<256x1xf32>
    %log1p3A = math.log1p %exp3A : vector<256x1xf32>
    %add3A_264 = arith.addf %max3A_255, %log1p3A : vector<256x1xf32>
    %select_n3A_265 = arith.select %ne3A_258, %add3A_260, %add3A_264 : vector<256x1xi1>, vector<256x1xf32>
    %swap3A = arith.constant 0 : index
    %swap3A_266 = arith.constant 0 : index
    %swap3A_267 = vector.load %arg7[%swap3A, %swap3A_266] : memref<256x1xf32, #tpu.memory_space<vmem>>, vector<256x1xf32>
    tpu.vector_store %arg7[%swap3A, %swap3A_266], %select_n3A_265 {strides = array<i32>} : memref<256x1xf32, #tpu.memory_space<vmem>>, vector<256x1xf32>,
    %eq3A_268 = arith.constant 0 : i32
    %eq3A_269 = arith.cmpi eq, %arg0, %eq3A_268 : i32
    %convert_element_type3A_270 = arith.extui %eq3A_269 : i1 to i32
    %cond3A = arith.constant 0 : i32
    %cond3A_271 = arith.cmpi ne, %convert_element_type3A_270, %cond3A : i32
    scf.if %cond3A_271 {
      %broadcast_in_dim3A_303 = arith.constant 0.000000e+00 : f32
      %broadcast_in_dim3A_304 = vector.broadcast %broadcast_in_dim3A_303 : f32 to vector<1x1xf32>
      %swap3A_305 = arith.constant 0 : index
      %swap3A_306 = arith.constant 0 : index
      %swap3A_307 = vector.load %arg8[%swap3A_305, %swap3A_306] : memref<1x1xf32, #tpu.memory_space<vmem>>, vector<1x1xf32>
      tpu.vector_store %arg8[%swap3A_305, %swap3A_306], %broadcast_in_dim3A_304 {strides = array<i32>} : memref<1x1xf32, #tpu.memory_space<vmem>>, vector<1x1xf32>,
      %broadcast_in_dim3A_308 = arith.constant 0.000000e+00 : f32
      %broadcast_in_dim3A_309 = vector.broadcast %broadcast_in_dim3A_308 : f32 to vector<1x1xf32>
      %swap3A_310 = arith.constant 0 : index
      %swap3A_311 = arith.constant 0 : index
      %swap3A_312 = vector.load %arg9[%swap3A_310, %swap3A_311] : memref<1x1xf32, #tpu.memory_space<vmem>>, vector<1x1xf32>
      tpu.vector_store %arg9[%swap3A_310, %swap3A_311], %broadcast_in_dim3A_309 {strides = array<i32>} : memref<1x1xf32, #tpu.memory_space<vmem>>, vector<1x1xf32>,
    } else {
    }
    %get3A_272 = arith.constant 0 : index
    %get3A_273 = arith.constant 0 : index
    %get3A_274 = vector.load %arg8[%get3A_272, %get3A_273] : memref<1x1xf32, #tpu.memory_space<vmem>>, vector<1x1xf32>
    %gt3A_275 = arith.constant 0.000000e+00 : f32
    %gt3A_276 = vector.broadcast %gt3A_275 : f32 to vector<256x1xf32>
    %gt3A_277 = arith.cmpf ogt, %sub3A_253, %gt3A_276 : vector<256x1xf32>
    %convert_element_type3A_278 = arith.extui %gt3A_277 : vector<256x1xi1> to vector<256x1xi32>
    %convert_element_type3A_279 = arith.sitofp %convert_element_type3A_278 : vector<256x1xi32> to vector<256x1xf32>
    %reduce_sum3A_280 = vector.shape_cast %convert_element_type3A_279 : vector<256x1xf32> to vector<1x256x1xf32>
    %reduce_sum3A_281 = arith.constant dense<0.000000e+00> : vector<1xf32>
    %reduce_sum3A_282 = vector.multi_reduction <add>, %reduce_sum3A_280, %reduce_sum3A_281 [1, 2] : vector<1x256x1xf32> to vector<1xf32>
    %reduce_sum3A_283 = vector.shape_cast %reduce_sum3A_282 : vector<1xf32> to vector<1x1x1xf32>
    %reduce_sum3A_284 = vector.extract %reduce_sum3A_283[0, 0, 0] : f32 from vector<1x1x1xf32>
    %broadcast_in_dim3A_285 = vector.broadcast %reduce_sum3A_284 : f32 to vector<1x1xf32>
    %add3A_286 = arith.addf %get3A_274, %broadcast_in_dim3A_285 : vector<1x1xf32>
    %swap3A_287 = arith.constant 0 : index
    %swap3A_288 = arith.constant 0 : index
    %swap3A_289 = vector.load %arg8[%swap3A_287, %swap3A_288] : memref<1x1xf32, #tpu.memory_space<vmem>>, vector<1x1xf32>
    tpu.vector_store %arg8[%swap3A_287, %swap3A_288], %add3A_286 {strides = array<i32>} : memref<1x1xf32, #tpu.memory_space<vmem>>, vector<1x1xf32>,
    %get3A_290 = arith.constant 0 : index
    %get3A_291 = arith.constant 0 : index
    %get3A_292 = vector.load %arg9[%get3A_290, %get3A_291] : memref<1x1xf32, #tpu.memory_space<vmem>>, vector<1x1xf32>
    %reduce_sum3A_293 = vector.shape_cast %convert_element_type3A_90 : vector<256x1xf32> to vector<1x256x1xf32>
    %reduce_sum3A_294 = arith.constant dense<0.000000e+00> : vector<1xf32>
    %reduce_sum3A_295 = vector.multi_reduction <add>, %reduce_sum3A_293, %reduce_sum3A_294 [1, 2] : vector<1x256x1xf32> to vector<1xf32>
    %reduce_sum3A_296 = vector.shape_cast %reduce_sum3A_295 : vector<1xf32> to vector<1x1x1xf32>
    %reduce_sum3A_297 = vector.extract %reduce_sum3A_296[0, 0, 0] : f32 from vector<1x1x1xf32>
    %broadcast_in_dim3A_298 = vector.broadcast %reduce_sum3A_297 : f32 to vector<1x1xf32>
    %add3A_299 = arith.addf %get3A_292, %broadcast_in_dim3A_298 : vector<1x1xf32>
    %swap3A_300 = arith.constant 0 : index
    %swap3A_301 = arith.constant 0 : index
    %swap3A_302 = vector.load %arg9[%swap3A_300, %swap3A_301] : memref<1x1xf32, #tpu.memory_space<vmem>>, vector<1x1xf32>
    tpu.vector_store %arg9[%swap3A_300, %swap3A_301], %add3A_299 {strides = array<i32>} : memref<1x1xf32, #tpu.memory_space<vmem>>, vector<1x1xf32>,
    return
  }
  func.func @transform_0(%arg0: i32) -> (i32, i32) {
    %c0_i32 = arith.constant 0 : i32
    %c0_i32_0 = arith.constant 0 : i32
    return %arg0, %c0_i32 : i32, i32
  }
  func.func @transform_1(%arg0: i32) -> (i32, i32) {
    %c0_i32 = arith.constant 0 : i32
    %c0_i32_0 = arith.constant 0 : i32
    %c0_i32_1 = arith.constant 0 : i32
    return %c0_i32, %c0_i32_0 : i32, i32
  }
  func.func @transform_2(%arg0: i32) -> (i32, i32) {
    %c0_i32 = arith.constant 0 : i32
    %c0_i32_0 = arith.constant 0 : i32
    return %arg0, %c0_i32 : i32, i32
  }
  func.func @transform_3(%arg0: i32) -> (i32, i32) {
    %c0_i32 = arith.constant 0 : i32
    %c0_i32_0 = arith.constant 0 : i32
    %c0_i32_1 = arith.constant 0 : i32
    return %c0_i32, %c0_i32_0 : i32, i32
  }
  func.func @transform_4(%arg0: i32) -> (i32, i32) {
    %c0_i32 = arith.constant 0 : i32
    %c0_i32_0 = arith.constant 0 : i32
    return %arg0, %c0_i32 : i32, i32
  }
  func.func @transform_5(%arg0: i32) -> (i32, i32) {
    %c0_i32 = arith.constant 0 : i32
    %c0_i32_0 = arith.constant 0 : i32
    return %arg0, %c0_i32 : i32, i32
  }
  func.func @transform_6(%arg0: i32) -> (i32, i32) {
    %c0_i32 = arith.constant 0 : i32
    %c0_i32_0 = arith.constant 0 : i32
    return %arg0, %c0_i32 : i32, i32
  }
  func.func @transform_7(%arg0: i32) -> (i32, i32) {
    %c0_i32 = arith.constant 0 : i32
    %c0_i32_0 = arith.constant 0 : i32
    %c0_i32_1 = arith.constant 0 : i32
    return %c0_i32, %c0_i32_0 : i32, i32
  }
  func.func @transform_8(%arg0: i32) -> (i32, i32) {
    %c0_i32 = arith.constant 0 : i32
    %c0_i32_0 = arith.constant 0 : i32
    %c0_i32_1 = arith.constant 0 : i32
    return %c0_i32, %c0_i32_0 : i32, i32
  }
}

</mosaic_0001>

<sc_bundles>
// kernel: sparse-core-data-format-call.cloned.1.call-start
scs
called_computation_lowered:
.L_overlay_start_0:
0x0: {  	s1 =	sld [smem:$0x3FD9]  }
0x1: {  	s2 =	sld [smem:$0x3FFE];
	_ =	sdelay $0x1  }
0x2: {  	s3 =	srdreg.scid  }
0x3: {  	s0 =	sand.u32 $0x1, s3  }
0x4: {  	s17 =	sshll.u32 s0, $0xA;
	s1 =	sadd.s32 s2, s1  }
0x5: {  	s1 =	sadd.s32 s1, s17  }
0x6: {  	[smem:$0x3FC7] =	sst s1  }
0x7: {  	_ = 	snop  }
0x8: {  	(tm) =	ssettm $0x1  }
0x9: {  	s18 =	sld [smem:$0x3FFB];
	_ =	sdelay $0x3  }
0xa: {  	_ =	strace s18  }
0xb: {  	s1 =	sld [smem:$0x3FFC];
	_ =	sdelay $0x3  }
0xc: {  	_ =	strace s1  }
0xd: {  	s1 =	sld [smem:$0x3FFD];
	_ =	sdelay $0x3  }
0xe: {  	_ =	strace s1  }
0xf: {  	_ =	strace $0x8FFFFFFF  }
0x10: {  	s19 =	sld [smem:$0x3FDB];
	_ =	sdelay $0x1  }
0x11: {  	s20 =	simm.s32 $_scs_section_size  }
0x12: {  	s4 =	simm.s32 $_size__tile_overlayer_lowered;
	s5 =	simm.s32 $_tile_overlayer_lowered  }
0x13: {  	s23 =	simm.s32 $0x1BFF;
	s22 =	sshll.u32 s5, $0x1;
	s1 =	sadd.s32 s20, s19  }
0x14: {  	s6 =	simm.s32 $0x0;
	s21 =	sshll.u32 s4, $0x1;
	s4 =	sadd.s32 s22, s1  }
0x15: {  	[timem:s6], [sflag:s23] =	dma.local [hbm:s4], s21  }
0x16: {  	_ =	swait.ge [sflag:s23], s21  }
0x17: {  	s2 =	ssub.s32 $0x0, s21;
	[sflag:s23] =	ssyncset.done $0x0  }
0x18: {  	[sflag:s23] =	ssyncadd.s32 s2;
	_ =	sdelay $0x1  }
0x19: {  	s24 =	simm.s32 $0x1B8B  }
0x1a: {  	_ =	swait.ge [sflag:s24], $0x1  }
0x1b: {  	[sflag:s24] =	ssyncset.done $0x0  }
0x1c: {  	s26 =	simm.s32 $0x1B8E;
	s25 =	sld [smem:$0x3FFE];
	[sflag:s24] =	ssyncadd.s32 $0xFFFFFFFF  }
0x1d: {  	s27 =	simm.s32 $execute0_lowered;
	[smem:$0x3FD2] =	sst s26  }
0x1e: {  	s4 =	sshll.u32 s27, $0x1;
	_ =	strace $0x80000046;
	[dreg:$0x1] =	wrdreg $0xFFFFFFFF  }
0x1f: {  	s28 =	simm.s32 $_size_execute0_lowered;
	s1 =	sadd.s32 s1, s4;
	[dreg:$0x0] =	wrdreg $0x0  }
0x20: {  	s4 =	sshll.u32 s28, $0x1;
	[dreg:$0x2] =	wrdreg s1  }
0x21: {  	[dreg:$0x3] =	wrdreg s4  }
0x22: {  	[dreg:$0x4] =	wrdreg $0xC0  }
0x23: {  	_ =	task [dreg:s6], $0x5FFFF  }
0x24: {  	[dreg:$0x1] =	wrdreg $0xFFFFFFFF  }
0x25: {  	[dreg:$0x0] =	wrdreg $0x60  }
0x26: {  	[dreg:$0x2] =	wrdreg s25  }
0x27: {  	[dreg:$0x3] =	wrdreg $0x9  }
0x28: {  	_ =	task.clear_ibuf [dreg:s6], $0x4FFFF;
	_ =	strace $0x90000046  }
0x29: {  	s29 =	simm.s32 $0x9;
	_ =	strace $0x80000048  }
0x2a: {  	_ =	swait.ge [sflag:s29], $0x1  }
0x2b: {  	[sflag:s29] =	ssyncadd.s32 $0xFFFFFFFF  }
0x2c: {  	_ =	strace $0x90000048  }
0x2d: {  	_ =	sfence  }
0x2e: {  	s30 =	sld [smem:$0x0];
	_ =	sdelay $0x2  }
0x2f: {  	s31 =	sshll.u32 s3, $0xD;
	s3 =	sshrl.u32 s3, $0x2  }
0x30: {  	s2 =	sand.u32 $0x4000, s31;
	s1 =	sadd.s32 s3, s30  }
0x31: {  	s0 =	sor.u32 s2, s0;
	s1 =	sshll.u32 s1, $0x11  }
0x32: {  	s0 =	sor.u32 s1, s0  }
0x33: {  	s0 =	sadd.s32 $0x8F2B, s0  }
0x34: {  	[sflag:s0] =	ssyncadd.remote.s32 $0x1  }
0x35: {  	_ =	sfence.sel $0xFFFF  }
0x36: {  	[dreg:$0x0] =	wrdreg $0xFFFFFFFF;
	(pc) =	sbr.abs _section_cstart, $3  }
0x37: {  	[dreg:$0x1] =	wrdreg $0xFFFFFFFF  }
0x38: {  	_ =	task.clear_ibuf [dreg:s6], $0x2FFFF;
	_ =	strace $0x9FFFFFFF  }
0x39: {  	(tm) =	ssettm $0x7FFFFFFF  }
tec
execute0_lowered:
.L_overlay_start_1:
0x0: {  	(tag) =	ssettag $0x1  }
0x1: {  	s12 =	rddreg [dreg:$0x0]  }
0x2: {  	s0 =	rddreg [dreg:$0x1];
	s1 =	srdreg.scid;
	_ =	strace $0x80000047  }
0x3: {  	s5 =	simm.s32 $0x1;
	s10 =	simm.s32 $0x2;
	s18 =	simm.s32 $0x0  }
0x4: {  	p0 =	por $0x0, $0x0;
	s13 =	simm.s32 $0x800;
	s19 =	simm.s32 $0x0  }
0x5: {  	s20 =	simm.s32 $0x0;
	s15 =	simm.s32 $0x0;
	s16 =	simm.s32 $0x0  }
0x6: {  	s14 =	simm.s32 $0x0;
	s3 =	sshll.u32 s1, $0x4;
	s2 =	sadd.s32 $0x401200, s12  }
.Ltmp0:
0x7: {  	s1 =	stileid.u32;
	s6 =	sadd.s32 $0x402200, s12;
	(pc) =	sbr.rel .LBB1_1-.Ltmp0, $4  }
0x8: {  	[sflag:s5] =	ssyncpa.u1 $0x0;
	s7 =	sadd.s32 $0x403200, s12;
	s8 =	sadd.s32 $0x404200, s12  }
0x9: {  	s9 =	sadd.s32 $0x405200, s12;
	s11 =	sadd.s32 $0x407200, s12;
	s4 =	sand.u32 $0x10, s3  }
0xa: {  	s3 =	sadd.s32 $0x1000, s12;
	[sflag:s10] =	ssyncpa.u1 $0x0;
	s4 =	sor.u32 s1, s4  }
0xb: {  	s10 =	sadd.s32 $0x406200, s12;
	s12 =	sadd.s32 $0x408200, s12;
	s17 =	smov.u32 s4  }
.LBB1_7:
0xc: {  	s21 =	sadd.s32 $0x80, s15  }
0xd: {  	s18 =	sadd.s32 $0x8, s16;
	s22 =	smov.u32 s16;
	p2 =	sgt.s32 s21, $0xFF  }
0xe: {  	s22 =	smov.u32 @p2 s18  }
0xf: {  	s24 =	smov.u32 s17;
	s18 =	sadd.s32 $0x20, s17;
	p3 =	sgt.s32 s22, $0xF  }
0x10: {  	p1 =	slt.u32 s14, $0x2;
	s24 =	smov.u32 @p3 s18  }
0x11: {  	s14 =	sadd.s32 $0x1, s14;
	s21 =	simm.s32 @p2 $0x0;
	p2 =	sgt.s32 s24, $0xFF  }
0x12: {  	s24 =	smov.u32 @p2 s4;
	p2 =	sne.s32 s14, $0x22  }
.Ltmp1:
0x13: {  	s23 =	simm.s32 @!p1 $0x2;
	(pc) =	sbr.rel @!p2 .LBB1_8-.Ltmp1, $4  }
0x14: {  	s19 =	smov.u32 s16;
	_ =	swait.ge @!p1 [sflag:s23], $0x4000  }
0x15: {  	s20 =	smov.u32 s17;
	p0 =	por !p0, !p0;
	[sflag:s23] =	ssyncset.done @!p1 $0x0  }
0x16: {  	s22 =	simm.s32 @p3 $0x0;
	s18 =	smov.u32 s15;
	[sflag:s23] =	ssyncadd.s32 @!p1 $0xFFFFC000  }
0x17: {  	s15 =	smov.u32 s21;
	s16 =	smov.u32 s22;
	s17 =	smov.u32 s24  }
.LBB1_1:
0x18: {  	p1 =	sgt.u32 s14, $0x1F  }
0x19: {  	s21 =	sxor.u32 @!p1 $0xFFFFFFFF, s14;
	s22 =	sshll.u32 @!p1 s17, $0x10;
	s23 =	sshll.u32 @!p1 s16, $0xC  }
0x1a: {  	s25 =	sshll.u32 @!p1 s15, $0x4;
	s26 =	simm.s32 @!p1 $0x10;
	s24 =	sadd.s32 @!p1 s22, s23  }
0x1b: {  	s21 =	sshll.u32 @!p1 s21, $0xE;
	s25 =	sand.u32 @!p1 $0xFF0, s25;
	s24 =	sadd.s32 @!p1 s2, s24  }
0x1c: {  	s27 =	simm.s32 @!p1 $0x80;
	s21 =	sand.u32 @!p1 $0x4000, s21;
	s24 =	sadd.s32 @!p1 s25, s24  }
0x1d: {  	[tilespmem:s21], [sflag:$0x1] =	stream.strided.gather @!p1 [hbm4b:s24+s26], $0x800, s27, s26, $0x38;
	[tilespmem:$0x10100] =	vst v63  }
0x1e: {  	s24 =	sadd.s32 @!p1 s22, s6  }
0x1f: {  	s24 =	sadd.s32 @!p1 s23, s24  }
0x20: {  	s28 =	sor.u32 @!p1 $0x800, s21;
	s24 =	sadd.s32 @!p1 s25, s24  }
0x21: {  	[tilespmem:s28], [sflag:$0x1] =	stream.strided.gather @!p1 [hbm4b:s24+s26], $0x800, s27, s26, $0x38;
	[tilespmem:$0x10100] =	vst v63  }
0x22: {  	s24 =	sadd.s32 @!p1 s22, s7  }
0x23: {  	s24 =	sadd.s32 @!p1 s23, s24  }
0x24: {  	s28 =	sor.u32 @!p1 $0x1000, s21;
	s24 =	sadd.s32 @!p1 s25, s24  }
0x25: {  	[tilespmem:s28], [sflag:$0x1] =	stream.strided.gather @!p1 [hbm4b:s24+s26], $0x800, s27, s26, $0x38;
	[tilespmem:$0x10100] =	vst v63  }
0x26: {  	s24 =	sadd.s32 @!p1 s22, s8  }
0x27: {  	s24 =	sadd.s32 @!p1 s23, s24  }
0x28: {  	s28 =	sor.u32 @!p1 $0x1800, s21;
	s24 =	sadd.s32 @!p1 s25, s24  }
0x29: {  	[tilespmem:s28], [sflag:$0x1] =	stream.strided.gather @!p1 [hbm4b:s24+s26], $0x800, s27, s26, $0x38;
	[tilespmem:$0x10100] =	vst v63  }
0x2a: {  	s24 =	sadd.s32 @!p1 s22, s9  }
0x2b: {  	s24 =	sadd.s32 @!p1 s23, s24  }
0x2c: {  	s28 =	sor.u32 @!p1 $0x2000, s21;
	s24 =	sadd.s32 @!p1 s25, s24  }
0x2d: {  	[tilespmem:s28], [sflag:$0x1] =	stream.strided.gather @!p1 [hbm4b:s24+s26], $0x800, s27, s26, $0x38;
	[tilespmem:$0x10100] =	vst v63  }
0x2e: {  	s24 =	sadd.s32 @!p1 s22, s10  }
0x2f: {  	s24 =	sadd.s32 @!p1 s23, s24  }
0x30: {  	s28 =	sor.u32 @!p1 $0x2800, s21;
	s24 =	sadd.s32 @!p1 s25, s24  }
0x31: {  	[tilespmem:s28], [sflag:$0x1] =	stream.strided.gather @!p1 [hbm4b:s24+s26], $0x800, s27, s26, $0x38;
	[tilespmem:$0x10100] =	vst v63  }
0x32: {  	s24 =	sadd.s32 @!p1 s22, s11  }
0x33: {  	s22 =	sadd.s32 @!p1 s22, s12;
	s24 =	sadd.s32 @!p1 s23, s24  }
0x34: {  	s28 =	sor.u32 @!p1 $0x3000, s21;
	s22 =	sadd.s32 @!p1 s23, s22;
	s24 =	sadd.s32 @!p1 s25, s24  }
0x35: {  	[tilespmem:s28], [sflag:$0x1] =	stream.strided.gather @!p1 [hbm4b:s24+s26], $0x800, s27, s26, $0x38;
	[tilespmem:$0x10100] =	vst v63  }
0x36: {  	s21 =	sor.u32 @!p1 $0x3800, s21;
	s22 =	sadd.s32 @!p1 s25, s22  }
0x37: {  	[tilespmem:s21], [sflag:$0x1] =	stream.strided.gather @!p1 [hbm4b:s22+s26], $0x800, s27, s26, $0x38;
	[tilespmem:$0x10100] =	vst v63  }
0x38: {  	p1 =	seq.s32 s14, $0x0  }
0x39: {  	p2 =	seq.s32 @!p1 s14, $0x21  }
0x3a: {  	p1 =	por p1, p2  }
.Ltmp2:
0x3b: {  	_ = 	snop;
	(pc) =	sbr.rel @p1 .LBB1_7-.Ltmp2, $1  }
0x3c: {  	_ =	sdelay $0x3  }
0x3d: {  	s21 =	simm.s32 $0x1;
	s23 =	sand.u32 $0x1, s14  }
0x3e: {  	_ =	swait.ge [sflag:s5], $0x4000;
	s21 =	simm.s32 @!p0 $0x0;
	s24 =	smul.u32 $0x10200, s23  }
0x3f: {  	[sflag:s5] =	ssyncset.done $0x0;
	s22 =	smul.u32 $0x10200, s21  }
0x40: {  	s21 =	sshll.u32 s21, $0xE;
	[sflag:s5] =	ssyncadd.s32 $0xFFFFC000  }
0x41: {  	s23 =	sor.u32 $0x40, s21;
	s31 =	sshrl.u32 s24, $0x2;
	s22 =	sshrl.u32 s22, $0x2  }
0x42: {  	s24 =	simm.s32 $0x0;
	s21 =	sor.u32 $0x8000, s31;
	s22 =	sor.u32 $0x8007, s22  }
.LBB1_3:
0x43: {  	v3 =	vld [tilespmem:s23+$0x30]  }
0x44: {  	v4 =	vld [tilespmem:s23+$0xFFFFFFD0]  }
0x45: {  	v5 =	vld [tilespmem:s23+$0xFFFFFFE0]  }
0x46: {  	v1 =	vld [tilespmem:s23+$0xFFFFFFF0]  }
0x47: {  	v0 =	vld [tilespmem:s23+$0x0]  }
0x48: {  	v2 =	vld [tilespmem:s23+$0x10];
	[tilespmem:s22+$0x0 ss:$0x81] =	vst.msk $0xffff, v3  }
0x49: {  	[tilespmem:s22+$0xFFFFFFFA ss:$0x81] =	vst.msk $0xffff, v4;
	v4 =	vld [tilespmem:s23+$0x20]  }
0x4a: {  	s26 =	simm.s32 $0x0;
	s27 =	sadd.s32 $0x80, s23;
	s25 =	smov.u32 s22;
	v3 =	vld [tilespmem:s23+$0xFFFFFFC0];
	[tilespmem:s22+$0xFFFFFFFB ss:$0x81] =	vst.msk $0xffff, v5  }
.LBB1_4:
0x4b: {  	v5 =	vld [tilespmem:s27+$0x30];
	s26 =	sadd.s32 $0x8, s26;
	[tilespmem:s25+$0xFFFFFFFC ss:$0x81] =	vst.msk $0xffff, v1  }
0x4c: {  	v6 =	vld [tilespmem:s27+$0xFFFFFFD0];
	p1 =	slt.u32 s26, $0x78;
	[tilespmem:s25+$0xFFFFFFFD ss:$0x81] =	vst.msk $0xffff, v0  }
0x4d: {  	v7 =	vld [tilespmem:s27+$0xFFFFFFE0];
	[tilespmem:s25+$0xFFFFFFFE ss:$0x81] =	vst.msk $0xffff, v2  }
.Ltmp3:
0x4e: {  	v1 =	vld [tilespmem:s27+$0xFFFFFFF0];
	[tilespmem:s25+$0xFFFFFFFF ss:$0x81] =	vst.msk $0xffff, v4;
	(pc) =	sbr.rel @p1 .LBB1_4-.Ltmp3, $4  }
0x4f: {  	v0 =	vld [tilespmem:s27+$0x0];
	[tilespmem:s25+$0xFFFFFFF9 ss:$0x81] =	vst.msk $0xffff, v3;
	s25 =	sadd.s32 $0x8, s25  }
0x50: {  	v2 =	vld [tilespmem:s27+$0x10];
	[tilespmem:s25+$0x0 ss:$0x81] =	vst.msk $0xffff, v5  }
0x51: {  	[tilespmem:s25+$0xFFFFFFFA ss:$0x81] =	vst.msk $0xffff, v6;
	v4 =	vld [tilespmem:s27+$0x20]  }
0x52: {  	v3 =	vld [tilespmem:s27+$0xFFFFFFC0];
	[tilespmem:s25+$0xFFFFFFFB ss:$0x81] =	vst.msk $0xffff, v7;
	s27 =	sadd.s32 $0x80, s27  }
0x53: {  	s24 =	sadd.s32 $0x1, s24  }
0x54: {  	p1 =	sne.s32 s24, $0x8  }
.Ltmp4:
0x55: {  	[tilespmem:s25+$0xFFFFFFFC ss:$0x81] =	vst.msk $0xffff, v1;
	(pc) =	sbr.rel @p1 .LBB1_3-.Ltmp4, $4  }
0x56: {  	[tilespmem:s25+$0xFFFFFFFD ss:$0x81] =	vst.msk $0xffff, v0  }
0x57: {  	[tilespmem:s25+$0xFFFFFFFE ss:$0x81] =	vst.msk $0xffff, v2  }
0x58: {  	[tilespmem:s25+$0xFFFFFFFF ss:$0x81] =	vst.msk $0xffff, v4  }
0x59: {  	s22 =	sadd.s32 $0x810, s22;
	s23 =	sadd.s32 $0x800, s23;
	[tilespmem:s25+$0xFFFFFFF9 ss:$0x81] =	vst.msk $0xffff, v3  }
0x5a: {  	s20 =	sshll.u32 s20, $0xD;
	s22 =	sand.u32 $0x180, s18  }
.Ltmp5:
0x5b: {  	s19 =	sshll.u32 s19, $0x9;
	s20 =	sadd.s32 s3, s20;
	(pc) =	sbr.rel .LBB1_7-.Ltmp5, $4  }
0x5c: {  	s23 =	sshrl.u32 s18, $0x3;
	s30 =	sand.u32 $0x7, s18;
	s19 =	sadd.s32 s19, s20  }
0x5d: {  	s31 =	sand.u32 $0xF, s23;
	s18 =	sshll.u32 s30, $0x12;
	s19 =	sadd.s32 s22, s19  }
0x5e: {  	s18 =	sor.u32 $0x400, s18;
	s19 =	sadd.s32 s31, s19  }
0x5f: {  	[hbm4b:s19+s18] =	stream.strided.scatter [tilespmem:s21], [sflag:$0x2], $0x4000, s13, s18, $0x20;
	[tilespmem:$0x10100] =	vst v63  }
.LBB1_8:
0x60: {  	_ =	sfence.sel $0x180000  }
0x61: {  	s2 =	simm.s32 $0x1;
	[bflag:$0x0] =	sbarrier.arrive $0xFFFF  }
0x62: {  	s31 =	simm.s32 $0x2;
	[sflag:s2] =	ssyncpa.u1 $0x1  }
0x63: {  	[sflag:s31] =	ssyncpa.u1 $0x1  }
0x64: {  	p0 =	sne.s32 s1, $0x0;
	_ =	strace $0x90000047  }
0x65: {  	s0 =	sadd.s32 @!p0 $0x100000, s0;
	[bflag:$0x2] =	sbarrier.arrive $0xFFFF  }
0x66: {  	[sflag:s0] =	ssyncadd.tile.s32 @!p0 $0x1;
	_ =	shalt  }
.Lfunc_end1:
_tile_overlayer_lowered:
.L_overlay_start_2:
0x67: {  	(tag) =	ssettag $0x2  }
0x68: {  	s0 =	rddreg [dreg:$0x0];
	s2 =	stileid.u32  }
0x69: {  	s1 =	rddreg [dreg:$0x1];
	p0 =	sne.s32 s2, $0x0  }
0x6a: {  	s3 =	rddreg [dreg:$0x2];
	[bflag:$0x3] =	sbarrier.arrive $0xFFFF;
	s2 =	simm.s32 @!p0 $0x1C01  }
0x6b: {  	[timem:s3], [sflag:s2] =	dma.local @!p0 [hbm:s0], s1  }
0x6c: {  	s0 =	simm.s32 @!p0 $0x1  }
0x6d: {  	_ =	swait.ge @!p0 [sflag:s0], s1  }
0x6e: {  	s1 =	ssub.s32 @!p0 $0x0, s1;
	[sflag:s0] =	ssyncset.done @!p0 $0x0  }
0x6f: {  	[sflag:s0] =	ssyncadd.s32 @!p0 s1  }
0x70: {  	[bflag:$0x3] =	sbarrier.arrive $0xFFFF  }
0x71: {  	_ =	shalt  }

</sc_bundles>
